<compile_context>
chip_gen: v7x
topology: tpu7x:2x2x1
jax: 0.10.2.dev20260603
libtpu: 0.0.44.dev20260713+nightly
codegen_flags: <defaults>
</compile_context>

<pallas_src>
import functools

import jax
import jax.numpy as jnp
from jax import lax
from jax.experimental import pallas as pl
from jax.experimental.pallas import tpu as pltpu
from jax.experimental.pallas import tpu_sc as plsc

VOCAB1 = 100001
EMBED_DIM = 8
BATCH = 16384


@functools.lru_cache(maxsize=None)
def _make_sc_gather(V, D, B):
    info = plsc.get_sparse_core_info()
    NC, NS, L = info.num_cores, info.num_subcores, info.num_lanes
    NW = NC * NS
    b_per_w = B // NW
    mesh = plsc.VectorSubcoreMesh(core_axis_name="c", subcore_axis_name="s")

    @functools.partial(
        pl.kernel,
        mesh=mesh,
        compiler_params=pltpu.CompilerParams(use_tc_tiling_on_sc=False),
        out_type=jax.ShapeDtypeStruct((B * D,), jnp.float32),
        scratch_types=[
            pltpu.VMEM((b_per_w,), jnp.int32),
            pltpu.VMEM((D * b_per_w,), jnp.int32),
            pltpu.VMEM((D * b_per_w,), jnp.float32),
            pltpu.SemaphoreType.DMA,
        ],
    )
    def gather(tflat_hbm, idx_hbm, out_hbm, idx_v, fi_v, rows_v, sem):
        wid = lax.axis_index("s") * NC + lax.axis_index("c")
        base = wid * b_per_w
        pltpu.sync_copy(idx_hbm.at[pl.ds(base, b_per_w)], idx_v)
        def chunk(c, _):
            iv = idx_v[pl.ds(c * L, L)]
            tbase = (
                lax.shift_left(lax.shift_right_logical(iv, 7), 10)
                + lax.bitwise_and(iv, 127)
            )
            k = c // (128 // L)
            j = c % (128 // L)
            for d in range(D):
                fi_v[pl.ds(k * (D * 128) + d * 128 + j * L, L)] = tbase + d * 128
            return _

        lax.fori_loop(0, b_per_w // L, chunk, 0)
        pltpu.async_copy(tflat_hbm.at[fi_v], rows_v, sem).wait()
        pltpu.sync_copy(rows_v, out_hbm.at[pl.ds(base * D, b_per_w * D)])

    return gather


def _mlp_t_body(embt_ref, w1_ref, b1_ref, w2t_ref, b2_ref, out_ref):
    embt = embt_ref[...].astype(jnp.bfloat16)
    w1 = w1_ref[...].astype(jnp.bfloat16)
    ht = lax.dot_general(w1, embt, (((0,), (0,)), ((), ())),
                         preferred_element_type=jnp.float32)
    ht = jnp.maximum(ht + b1_ref[...], 0.0)
    w2t = w2t_ref[...].astype(jnp.bfloat16)
    outt = lax.dot_general(w2t, ht.astype(jnp.bfloat16), (((1,), (0,)), ((), ())),
                           preferred_element_type=jnp.float32)
    out_ref[...] = outt + b2_ref[...]


def _mlp_t(embt, W1, b1, W2, b2, tile=8192):
    B = embt.shape[1]
    H = W1.shape[1]
    O = W2.shape[1]
    return pl.pallas_call(
        _mlp_t_body,
        grid=(B // tile,),
        in_specs=[
            pl.BlockSpec((EMBED_DIM, tile), lambda i: (0, i)),
            pl.BlockSpec((EMBED_DIM, H), lambda i: (0, 0)),
            pl.BlockSpec((H, 1), lambda i: (0, 0)),
            pl.BlockSpec((O, H), lambda i: (0, 0)),
            pl.BlockSpec((O, 1), lambda i: (0, 0)),
        ],
        out_specs=pl.BlockSpec((O, tile), lambda i: (0, i)),
        out_shape=jax.ShapeDtypeStruct((O, B), jnp.float32),
    )(embt, W1, b1.reshape(H, 1), W2.T, b2.reshape(O, 1))


def kernel(indices, table, W1, b1, W2, b2):
    vpad = -VOCAB1 % 128
    tflat = (
        jnp.pad(table, ((0, vpad), (0, 0)))
        .T.reshape(EMBED_DIM, (VOCAB1 + vpad) // 128, 128)
        .transpose(1, 0, 2)
        .reshape(-1)
    )
    flat = _make_sc_gather(VOCAB1, EMBED_DIM, BATCH)(tflat, indices)
    embt3 = flat.reshape(BATCH // 128, EMBED_DIM, 128)
    embt = embt3.transpose(1, 0, 2).reshape(EMBED_DIM, BATCH)
    outt = _mlp_t(embt, W1, b1, W2, b2)
    return outt.T

# --- scband reference (transcript-rebuilt; emitter-appended) ---
"""Pipeline reference for scband-query-model-29841432772855 (READ-ONLY COPY).

The authoritative reference and input builder live on the scoring server;
editing this copy changes nothing except your own understanding.
"""

import jax, jax.numpy as jnp
import numpy as np

VOCAB = 100000
EMBED_DIM = 8
BATCH = 16384
LAYER_SIZES = [256, 64]

def setup_inputs(seed: int = 0) -> dict:
    key = jax.random.key(seed)
    k_idx, k_tab, k_w1, k_b1, k_w2, k_b2 = jax.random.split(key, 6)
    indices = jax.random.randint(k_idx, (BATCH,), 0, VOCAB + 1, dtype=jnp.int64 if jax.config.jax_enable_x64 else jnp.int32).astype(jnp.int32)
    # embedding table: (vocab + 1) x embed_dim, uniform init like keras Embedding
    table = jax.random.uniform(k_tab, (VOCAB + 1, EMBED_DIM), dtype=jnp.float32, minval=-0.05, maxval=0.05)
    # dense layer params
    W1 = jax.random.normal(k_w1, (EMBED_DIM, LAYER_SIZES[0]), dtype=jnp.float32) * (1.0 / np.sqrt(EMBED_DIM))
    b1 = jnp.zeros((LAYER_SIZES[0],), dtype=jnp.float32)
    W2 = jax.random.normal(k_w2, (LAYER_SIZES[0], LAYER_SIZES[1]), dtype=jnp.float32) * (1.0 / np.sqrt(LAYER_SIZES[0]))
    b2 = jnp.zeros((LAYER_SIZES[1],), dtype=jnp.float32)
    return {"indices": indices, "table": table, "W1": W1, "b1": b1, "W2": W2, "b2": b2}

def reference(indices, table, W1, b1, W2, b2):
    # CustomerModel: StringLookup -> Embedding; here indices are already integer ids
    emb = jnp.take(table, indices, axis=0)  # [B, 8]
    # tf.concat of single tensor is identity
    feat = emb
    # QueryModel dense layers: relu hidden, linear output
    h = jax.nn.relu(feat @ W1 + b1)
    out = h @ W2 + b2
    return out

if __name__ == "__main__":
    import jax
    _d = setup_inputs()
    print(jax.jit(kernel)(*tuple(_d.values())))

</pallas_src>

<mosaic_0001>
#map = affine_map<(d0, d1) -> (0)>
module attributes {stable_mosaic.version = 14 : i64} {
  func.func @gather(%arg0: i32, %arg1: i32, %arg2: memref<800768xf32, #tpu.memory_space<hbm>>, %arg3: memref<16384xi32, #tpu.memory_space<hbm>>, %arg4: memref<131072xf32, #tpu.memory_space<hbm>>, %arg5: memref<512xi32, #tpu.memory_space<vmem>>, %arg6: memref<4096xi32, #tpu.memory_space<vmem>>, %arg7: memref<4096xf32, #tpu.memory_space<vmem>>, %arg8: memref<!tpu.dma_semaphore, #tpu.memory_space<semaphore_mem>>) attributes {dimension_semantics = [#tpu.dimension_semantics<core_parallel>, #tpu.dimension_semantics<subcore_parallel>], iteration_bounds = array<i64: 2, 16>, scalar_prefetch = 0 : i64, scratch_operands = 4 : i64, tpu.core_type = #tpu.core_type<sc_vector_subcore>, window_params = [{transform_indices = #map}, {transform_indices = #map}, {transform_indices = #map}]} {
    %mul3A = arith.constant 2 : i32
    %mul3A_0 = arith.muli %arg1, %mul3A : i32
    %add3A = arith.addi %mul3A_0, %arg0 : i32
    %mul3A_1 = arith.constant 512 : i32
    %mul3A_2 = arith.muli %add3A, %mul3A_1 : i32
    "tpu.region"() ({
      %run_scoped3A = tpu.sem_alloc : memref<!tpu.dma_semaphore, #tpu.memory_space<semaphore_mem>>
      %dma_start3A_12 = tpu.memref_slice %arg3[%mul3A_2] : memref<16384xi32, #tpu.memory_space<hbm>> -> memref<512xi32, #tpu.memory_space<hbm>>
      %dma_start3A_13 = tpu.memref_slice %arg3[%mul3A_2] : memref<16384xi32, #tpu.memory_space<hbm>> -> memref<512xi32, #tpu.memory_space<hbm>>
      tpu.enqueue_dma source(%dma_start3A_13 : memref<512xi32, #tpu.memory_space<hbm>>) target(%arg5 : memref<512xi32, #tpu.memory_space<vmem>>) target_semaphore(%run_scoped3A : memref<!tpu.dma_semaphore, #tpu.memory_space<semaphore_mem>>)
      %dma_wait3A_14 = tpu.memref_slice %arg3[%mul3A_2] : memref<16384xi32, #tpu.memory_space<hbm>> -> memref<512xi32, #tpu.memory_space<hbm>>
      %dma_wait3A_15 = tpu.memref_slice %arg3[%mul3A_2] : memref<16384xi32, #tpu.memory_space<hbm>> -> memref<512xi32, #tpu.memory_space<hbm>>
      tpu.wait_dma2 semaphore(%run_scoped3A : memref<!tpu.dma_semaphore, #tpu.memory_space<semaphore_mem>>) src(%dma_wait3A_15 : memref<512xi32, #tpu.memory_space<hbm>>) dst(%arg5 : memref<512xi32, #tpu.memory_space<vmem>>)
      tpu.yield
    }) : () -> ()
    %scan3A = arith.constant 0 : i32
    %scan3A_3 = arith.constant 0 : i32
    %scan3A_4 = arith.constant 32 : i32
    %scan3A_5 = arith.addi %scan3A_3, %scan3A_4 : i32
    %scan3A_6 = arith.constant 1 : i32
    scf.for %scan3A_12 = %scan3A_3 to %scan3A_5 step %scan3A_6  : i32 {
      %mul3A_13 = arith.constant 16 : i32
      %mul3A_14 = arith.muli %scan3A_12, %mul3A_13 : i32
      %get3A = arith.index_cast %mul3A_14 : i32 to index
      %get3A_15 = tpu.vector_load %arg5[%get3A] {strides = array<i32>} : memref<512xi32, #tpu.memory_space<vmem>>, vector<16xi32>,
      %get3A_16 = vector.shape_cast %get3A_15 : vector<16xi32> to vector<16xi32>
      %shift_right_logical3A = arith.constant 7 : i32
      %shift_right_logical3A_17 = vector.broadcast %shift_right_logical3A : i32 to vector<16xi32>
      %shift_right_logical3A_18 = arith.shrui %get3A_16, %shift_right_logical3A_17 : vector<16xi32>
      %shift_left3A = arith.constant 10 : i32
      %shift_left3A_19 = vector.broadcast %shift_left3A : i32 to vector<16xi32>
      %shift_left3A_20 = arith.shli %shift_right_logical3A_18, %shift_left3A_19 : vector<16xi32>
      %and3A = arith.constant 127 : i32
      %and3A_21 = vector.broadcast %and3A : i32 to vector<16xi32>
      %and3A_22 = arith.andi %get3A_16, %and3A_21 : vector<16xi32>
      %add3A_23 = arith.addi %shift_left3A_20, %and3A_22 : vector<16xi32>
      %jit3A = arith.constant 8 : i32
      %div3A = arith.divsi %scan3A_12, %jit3A : i32
      %sign3A = arith.constant 0 : i32
      %sign3A_24 = arith.cmpi sgt, %scan3A_12, %sign3A : i32
      %sign3A_25 = arith.extui %sign3A_24 : i1 to i32
      %sign3A_26 = arith.constant 0 : i32
      %sign3A_27 = arith.cmpi slt, %scan3A_12, %sign3A_26 : i32
      %sign3A_28 = arith.extui %sign3A_27 : i1 to i32
      %sign3A_29 = arith.subi %sign3A_25, %sign3A_28 : i32
      %sign3A_30 = arith.constant 0 : i32
      %sign3A_31 = arith.cmpi sgt, %jit3A, %sign3A_30 : i32
      %sign3A_32 = arith.extui %sign3A_31 : i1 to i32
      %sign3A_33 = arith.constant 0 : i32
      %sign3A_34 = arith.cmpi slt, %jit3A, %sign3A_33 : i32
      %sign3A_35 = arith.extui %sign3A_34 : i1 to i32
      %sign3A_36 = arith.subi %sign3A_32, %sign3A_35 : i32
      %ne3A = arith.cmpi ne, %sign3A_29, %sign3A_36 : i32
      %rem3A = arith.remsi %scan3A_12, %jit3A : i32
      %ne3A_37 = arith.constant 0 : i32
      %ne3A_38 = arith.cmpi ne, %rem3A, %ne3A_37 : i32
      %and3A_39 = arith.andi %ne3A, %ne3A_38 : i1
      %sub3A = arith.constant 1 : i32
      %sub3A_40 = arith.subi %div3A, %sub3A : i32
      %select_n3A = arith.select %and3A_39, %sub3A_40, %div3A : i32
      %jit3A_41 = arith.constant 8 : i32
      %eq3A = arith.constant 0 : i32
      %eq3A_42 = arith.cmpi eq, %jit3A_41, %eq3A : i32
      %jit3A_43 = arith.constant 1 : i32
      %select_n3A_44 = arith.select %eq3A_42, %jit3A_43, %jit3A_41 : i32
      %rem3A_45 = arith.remsi %scan3A_12, %select_n3A_44 : i32
      %ne3A_46 = arith.constant 0 : i32
      %ne3A_47 = arith.cmpi ne, %rem3A_45, %ne3A_46 : i32
      %lt3A = arith.constant 0 : i32
      %lt3A_48 = arith.cmpi slt, %rem3A_45, %lt3A : i32
      %lt3A_49 = arith.constant 0 : i32
      %lt3A_50 = arith.cmpi slt, %select_n3A_44, %lt3A_49 : i32
      %ne3A_51 = arith.xori %lt3A_48, %lt3A_50 : i1
      %and3A_52 = arith.andi %ne3A_51, %ne3A_47 : i1
      %add3A_53 = arith.addi %rem3A_45, %select_n3A_44 : i32
      %select_n3A_54 = arith.select %and3A_52, %add3A_53, %rem3A_45 : i32
      %add3A_55 = arith.constant 0 : i32
      %add3A_56 = vector.broadcast %add3A_55 : i32 to vector<16xi32>
      %add3A_57 = arith.addi %add3A_23, %add3A_56 : vector<16xi32>
      %mul3A_58 = arith.constant 1024 : i32
      %mul3A_59 = arith.muli %select_n3A, %mul3A_58 : i32
      %add3A_60 = arith.constant 0 : i32
      %add3A_61 = arith.addi %mul3A_59, %add3A_60 : i32
      %mul3A_62 = arith.constant 16 : i32
      %mul3A_63 = arith.muli %select_n3A_54, %mul3A_62 : i32
      %add3A_64 = arith.addi %add3A_61, %mul3A_63 : i32
      %swap3A = arith.index_cast %add3A_64 : i32 to index
      %swap3A_65 = tpu.vector_load %arg6[%swap3A] {strides = array<i32>} : memref<4096xi32, #tpu.memory_space<vmem>>, vector<16xi32>,
      %swap3A_66 = vector.shape_cast %swap3A_65 : vector<16xi32> to vector<16xi32>
      %swap3A_67 = vector.shape_cast %add3A_57 : vector<16xi32> to vector<16xi32>
      tpu.vector_store %arg6[%swap3A], %swap3A_67 {strides = array<i32>} : memref<4096xi32, #tpu.memory_space<vmem>>, vector<16xi32>,
      %add3A_68 = arith.constant 128 : i32
      %add3A_69 = vector.broadcast %add3A_68 : i32 to vector<16xi32>
      %add3A_70 = arith.addi %add3A_23, %add3A_69 : vector<16xi32>
      %mul3A_71 = arith.constant 1024 : i32
      %mul3A_72 = arith.muli %select_n3A, %mul3A_71 : i32
      %add3A_73 = arith.constant 128 : i32
      %add3A_74 = arith.addi %mul3A_72, %add3A_73 : i32
      %mul3A_75 = arith.constant 16 : i32
      %mul3A_76 = arith.muli %select_n3A_54, %mul3A_75 : i32
      %add3A_77 = arith.addi %add3A_74, %mul3A_76 : i32
      %swap3A_78 = arith.index_cast %add3A_77 : i32 to index
      %swap3A_79 = tpu.vector_load %arg6[%swap3A_78] {strides = array<i32>} : memref<4096xi32, #tpu.memory_space<vmem>>, vector<16xi32>,
      %swap3A_80 = vector.shape_cast %swap3A_79 : vector<16xi32> to vector<16xi32>
      %swap3A_81 = vector.shape_cast %add3A_70 : vector<16xi32> to vector<16xi32>
      tpu.vector_store %arg6[%swap3A_78], %swap3A_81 {strides = array<i32>} : memref<4096xi32, #tpu.memory_space<vmem>>, vector<16xi32>,
      %add3A_82 = arith.constant 256 : i32
      %add3A_83 = vector.broadcast %add3A_82 : i32 to vector<16xi32>
      %add3A_84 = arith.addi %add3A_23, %add3A_83 : vector<16xi32>
      %mul3A_85 = arith.constant 1024 : i32
      %mul3A_86 = arith.muli %select_n3A, %mul3A_85 : i32
      %add3A_87 = arith.constant 256 : i32
      %add3A_88 = arith.addi %mul3A_86, %add3A_87 : i32
      %mul3A_89 = arith.constant 16 : i32
      %mul3A_90 = arith.muli %select_n3A_54, %mul3A_89 : i32
      %add3A_91 = arith.addi %add3A_88, %mul3A_90 : i32
      %swap3A_92 = arith.index_cast %add3A_91 : i32 to index
      %swap3A_93 = tpu.vector_load %arg6[%swap3A_92] {strides = array<i32>} : memref<4096xi32, #tpu.memory_space<vmem>>, vector<16xi32>,
      %swap3A_94 = vector.shape_cast %swap3A_93 : vector<16xi32> to vector<16xi32>
      %swap3A_95 = vector.shape_cast %add3A_84 : vector<16xi32> to vector<16xi32>
      tpu.vector_store %arg6[%swap3A_92], %swap3A_95 {strides = array<i32>} : memref<4096xi32, #tpu.memory_space<vmem>>, vector<16xi32>,
      %add3A_96 = arith.constant 384 : i32
      %add3A_97 = vector.broadcast %add3A_96 : i32 to vector<16xi32>
      %add3A_98 = arith.addi %add3A_23, %add3A_97 : vector<16xi32>
      %mul3A_99 = arith.constant 1024 : i32
      %mul3A_100 = arith.muli %select_n3A, %mul3A_99 : i32
      %add3A_101 = arith.constant 384 : i32
      %add3A_102 = arith.addi %mul3A_100, %add3A_101 : i32
      %mul3A_103 = arith.constant 16 : i32
      %mul3A_104 = arith.muli %select_n3A_54, %mul3A_103 : i32
      %add3A_105 = arith.addi %add3A_102, %mul3A_104 : i32
      %swap3A_106 = arith.index_cast %add3A_105 : i32 to index
      %swap3A_107 = tpu.vector_load %arg6[%swap3A_106] {strides = array<i32>} : memref<4096xi32, #tpu.memory_space<vmem>>, vector<16xi32>,
      %swap3A_108 = vector.shape_cast %swap3A_107 : vector<16xi32> to vector<16xi32>
      %swap3A_109 = vector.shape_cast %add3A_98 : vector<16xi32> to vector<16xi32>
      tpu.vector_store %arg6[%swap3A_106], %swap3A_109 {strides = array<i32>} : memref<4096xi32, #tpu.memory_space<vmem>>, vector<16xi32>,
      %add3A_110 = arith.constant 512 : i32
      %add3A_111 = vector.broadcast %add3A_110 : i32 to vector<16xi32>
      %add3A_112 = arith.addi %add3A_23, %add3A_111 : vector<16xi32>
      %mul3A_113 = arith.constant 1024 : i32
      %mul3A_114 = arith.muli %select_n3A, %mul3A_113 : i32
      %add3A_115 = arith.constant 512 : i32
      %add3A_116 = arith.addi %mul3A_114, %add3A_115 : i32
      %mul3A_117 = arith.constant 16 : i32
      %mul3A_118 = arith.muli %select_n3A_54, %mul3A_117 : i32
      %add3A_119 = arith.addi %add3A_116, %mul3A_118 : i32
      %swap3A_120 = arith.index_cast %add3A_119 : i32 to index
      %swap3A_121 = tpu.vector_load %arg6[%swap3A_120] {strides = array<i32>} : memref<4096xi32, #tpu.memory_space<vmem>>, vector<16xi32>,
      %swap3A_122 = vector.shape_cast %swap3A_121 : vector<16xi32> to vector<16xi32>
      %swap3A_123 = vector.shape_cast %add3A_112 : vector<16xi32> to vector<16xi32>
      tpu.vector_store %arg6[%swap3A_120], %swap3A_123 {strides = array<i32>} : memref<4096xi32, #tpu.memory_space<vmem>>, vector<16xi32>,
      %add3A_124 = arith.constant 640 : i32
      %add3A_125 = vector.broadcast %add3A_124 : i32 to vector<16xi32>
      %add3A_126 = arith.addi %add3A_23, %add3A_125 : vector<16xi32>
      %mul3A_127 = arith.constant 1024 : i32
      %mul3A_128 = arith.muli %select_n3A, %mul3A_127 : i32
      %add3A_129 = arith.constant 640 : i32
      %add3A_130 = arith.addi %mul3A_128, %add3A_129 : i32
      %mul3A_131 = arith.constant 16 : i32
      %mul3A_132 = arith.muli %select_n3A_54, %mul3A_131 : i32
      %add3A_133 = arith.addi %add3A_130, %mul3A_132 : i32
      %swap3A_134 = arith.index_cast %add3A_133 : i32 to index
      %swap3A_135 = tpu.vector_load %arg6[%swap3A_134] {strides = array<i32>} : memref<4096xi32, #tpu.memory_space<vmem>>, vector<16xi32>,
      %swap3A_136 = vector.shape_cast %swap3A_135 : vector<16xi32> to vector<16xi32>
      %swap3A_137 = vector.shape_cast %add3A_126 : vector<16xi32> to vector<16xi32>
      tpu.vector_store %arg6[%swap3A_134], %swap3A_137 {strides = array<i32>} : memref<4096xi32, #tpu.memory_space<vmem>>, vector<16xi32>,
      %add3A_138 = arith.constant 768 : i32
      %add3A_139 = vector.broadcast %add3A_138 : i32 to vector<16xi32>
      %add3A_140 = arith.addi %add3A_23, %add3A_139 : vector<16xi32>
      %mul3A_141 = arith.constant 1024 : i32
      %mul3A_142 = arith.muli %select_n3A, %mul3A_141 : i32
      %add3A_143 = arith.constant 768 : i32
      %add3A_144 = arith.addi %mul3A_142, %add3A_143 : i32
      %mul3A_145 = arith.constant 16 : i32
      %mul3A_146 = arith.muli %select_n3A_54, %mul3A_145 : i32
      %add3A_147 = arith.addi %add3A_144, %mul3A_146 : i32
      %swap3A_148 = arith.index_cast %add3A_147 : i32 to index
      %swap3A_149 = tpu.vector_load %arg6[%swap3A_148] {strides = array<i32>} : memref<4096xi32, #tpu.memory_space<vmem>>, vector<16xi32>,
      %swap3A_150 = vector.shape_cast %swap3A_149 : vector<16xi32> to vector<16xi32>
      %swap3A_151 = vector.shape_cast %add3A_140 : vector<16xi32> to vector<16xi32>
      tpu.vector_store %arg6[%swap3A_148], %swap3A_151 {strides = array<i32>} : memref<4096xi32, #tpu.memory_space<vmem>>, vector<16xi32>,
      %add3A_152 = arith.constant 896 : i32
      %add3A_153 = vector.broadcast %add3A_152 : i32 to vector<16xi32>
      %add3A_154 = arith.addi %add3A_23, %add3A_153 : vector<16xi32>
      %mul3A_155 = arith.constant 1024 : i32
      %mul3A_156 = arith.muli %select_n3A, %mul3A_155 : i32
      %add3A_157 = arith.constant 896 : i32
      %add3A_158 = arith.addi %mul3A_156, %add3A_157 : i32
      %mul3A_159 = arith.constant 16 : i32
      %mul3A_160 = arith.muli %select_n3A_54, %mul3A_159 : i32
      %add3A_161 = arith.addi %add3A_158, %mul3A_160 : i32
      %swap3A_162 = arith.index_cast %add3A_161 : i32 to index
      %swap3A_163 = tpu.vector_load %arg6[%swap3A_162] {strides = array<i32>} : memref<4096xi32, #tpu.memory_space<vmem>>, vector<16xi32>,
      %swap3A_164 = vector.shape_cast %swap3A_163 : vector<16xi32> to vector<16xi32>
      %swap3A_165 = vector.shape_cast %add3A_154 : vector<16xi32> to vector<16xi32>
      tpu.vector_store %arg6[%swap3A_162], %swap3A_165 {strides = array<i32>} : memref<4096xi32, #tpu.memory_space<vmem>>, vector<16xi32>,
    }
    %scan3A_7 = arith.constant 32 : i32
    %dma_start3A = arith.constant 0 : i32
    %dma_start3A_8 = tpu.memref_slice %arg2[%dma_start3A] : memref<800768xf32, #tpu.memory_space<hbm>> -> memref<800768xf32, #tpu.memory_space<hbm>>
    tpu.enqueue_indirect_dma source(%dma_start3A_8 : memref<800768xf32, #tpu.memory_space<hbm>>) target(%arg7 : memref<4096xf32, #tpu.memory_space<vmem>>) offsets(%arg6 : memref<4096xi32, #tpu.memory_space<vmem>>) semaphore(%arg8 : memref<!tpu.dma_semaphore, #tpu.memory_space<semaphore_mem>>)
    %dma_wait3A = arith.constant 0 : i32
    %dma_wait3A_9 = tpu.memref_slice %arg2[%dma_wait3A] : memref<800768xf32, #tpu.memory_space<hbm>> -> memref<800768xf32, #tpu.memory_space<hbm>>
    tpu.wait_indirect_dma semaphore(%arg8 : memref<!tpu.dma_semaphore, #tpu.memory_space<semaphore_mem>>) src(%dma_wait3A_9 : memref<800768xf32, #tpu.memory_space<hbm>>) dst(%arg7 : memref<4096xf32, #tpu.memory_space<vmem>>)
    %mul3A_10 = arith.constant 8 : i32
    %mul3A_11 = arith.muli %mul3A_2, %mul3A_10 : i32
    "tpu.region"() ({
      %run_scoped3A = tpu.sem_alloc : memref<!tpu.dma_semaphore, #tpu.memory_space<semaphore_mem>>
      %dma_start3A_12 = tpu.memref_slice %arg4[%mul3A_11] : memref<131072xf32, #tpu.memory_space<hbm>> -> memref<4096xf32, #tpu.memory_space<hbm>>
      %dma_start3A_13 = tpu.memref_slice %arg4[%mul3A_11] : memref<131072xf32, #tpu.memory_space<hbm>> -> memref<4096xf32, #tpu.memory_space<hbm>>
      tpu.enqueue_dma source(%arg7 : memref<4096xf32, #tpu.memory_space<vmem>>) target(%dma_start3A_13 : memref<4096xf32, #tpu.memory_space<hbm>>) target_semaphore(%run_scoped3A : memref<!tpu.dma_semaphore, #tpu.memory_space<semaphore_mem>>)
      %dma_wait3A_14 = tpu.memref_slice %arg4[%mul3A_11] : memref<131072xf32, #tpu.memory_space<hbm>> -> memref<4096xf32, #tpu.memory_space<hbm>>
      %dma_wait3A_15 = tpu.memref_slice %arg4[%mul3A_11] : memref<131072xf32, #tpu.memory_space<hbm>> -> memref<4096xf32, #tpu.memory_space<hbm>>
      tpu.wait_dma2 semaphore(%run_scoped3A : memref<!tpu.dma_semaphore, #tpu.memory_space<semaphore_mem>>) src(%arg7 : memref<4096xf32, #tpu.memory_space<vmem>>) dst(%dma_wait3A_15 : memref<4096xf32, #tpu.memory_space<hbm>>)
      tpu.yield
    }) : () -> ()
    return
  }
}

module attributes {stable_mosaic.version = 14 : i64} {
  func.func @_mlp_t_body(%arg0: i32, %arg1: memref<8x8192xf32, #tpu.memory_space<vmem>>, %arg2: memref<8x256xf32, #tpu.memory_space<vmem>>, %arg3: memref<256x1xf32, #tpu.memory_space<vmem>>, %arg4: memref<64x256xf32, #tpu.memory_space<vmem>>, %arg5: memref<64x1xf32, #tpu.memory_space<vmem>>, %arg6: memref<64x8192xf32, #tpu.memory_space<vmem>>) attributes {dimension_semantics = [#tpu.dimension_semantics<arbitrary>], iteration_bounds = array<i64: 2>, scalar_prefetch = 0 : i64, scratch_operands = 0 : i64, tpu.core_type = #tpu.core_type<tc>, window_params = [{transform_indices = @transform_0, window_bounds = array<i64: 8, 8192>}, {pipeline_mode = #tpu.pipeline_mode<synchronous>, transform_indices = @transform_1, window_bounds = array<i64: 8, 256>}, {pipeline_mode = #tpu.pipeline_mode<synchronous>, transform_indices = @transform_2, window_bounds = array<i64: 256, 1>}, {pipeline_mode = #tpu.pipeline_mode<synchronous>, transform_indices = @transform_3, window_bounds = array<i64: 64, 256>}, {pipeline_mode = #tpu.pipeline_mode<synchronous>, transform_indices = @transform_4, window_bounds = array<i64: 64, 1>}, {transform_indices = @transform_5, window_bounds = array<i64: 64, 8192>}]} {
    %get3A = arith.constant 0 : index
    %get3A_0 = arith.constant 0 : index
    %get3A_1 = vector.load %arg1[%get3A, %get3A_0] : memref<8x8192xf32, #tpu.memory_space<vmem>>, vector<8x8192xf32>
    %convert_element_type3A = arith.truncf %get3A_1 : vector<8x8192xf32> to vector<8x8192xbf16>
    %get3A_2 = arith.constant 0 : index
    %get3A_3 = arith.constant 0 : index
    %get3A_4 = vector.load %arg2[%get3A_2, %get3A_3] : memref<8x256xf32, #tpu.memory_space<vmem>>, vector<8x256xf32>
    %convert_element_type3A_5 = arith.truncf %get3A_4 : vector<8x256xf32> to vector<8x256xbf16>
    %dot_general3A = arith.constant dense<0.000000e+00> : vector<256x8192xf32>
    %dot_general3A_6 = tpu.matmul %convert_element_type3A_5, %convert_element_type3A, %dot_general3A {dimension_numbers = #tpu.dot_dimension_numbers<[0], [0], [1], [1], [0, 1, 1, 1], [], []>, transpose_lhs_hint = false} : vector<8x256xbf16>, vector<8x8192xbf16>, vector<256x8192xf32> -> vector<256x8192xf32>
    %get3A_7 = arith.constant 0 : index
    %get3A_8 = arith.constant 0 : index
    %get3A_9 = vector.load %arg3[%get3A_7, %get3A_8] : memref<256x1xf32, #tpu.memory_space<vmem>>, vector<256x1xf32>
    %add3A = vector.broadcast %get3A_9 : vector<256x1xf32> to vector<256x8192xf32>
    %add3A_10 = arith.addf %dot_general3A_6, %add3A : vector<256x8192xf32>
    %max3A = arith.constant 0.000000e+00 : f32
    %max3A_11 = vector.broadcast %max3A : f32 to vector<256x8192xf32>
    %max3A_12 = arith.maximumf %add3A_10, %max3A_11 : vector<256x8192xf32>
    %get3A_13 = arith.constant 0 : index
    %get3A_14 = arith.constant 0 : index
    %get3A_15 = vector.load %arg4[%get3A_13, %get3A_14] : memref<64x256xf32, #tpu.memory_space<vmem>>, vector<64x256xf32>
    %convert_element_type3A_16 = arith.truncf %get3A_15 : vector<64x256xf32> to vector<64x256xbf16>
    %convert_element_type3A_17 = arith.truncf %max3A_12 : vector<256x8192xf32> to vector<256x8192xbf16>
    %dot_general3A_18 = arith.constant dense<0.000000e+00> : vector<64x8192xf32>
    %dot_general3A_19 = tpu.matmul %convert_element_type3A_16, %convert_element_type3A_17, %dot_general3A_18 {dimension_numbers = #tpu.dot_dimension_numbers<[1], [0], [0], [1], [0, 0, 1, 1], [], []>, transpose_lhs_hint = false} : vector<64x256xbf16>, vector<256x8192xbf16>, vector<64x8192xf32> -> vector<64x8192xf32>
    %get3A_20 = arith.constant 0 : index
    %get3A_21 = arith.constant 0 : index
    %get3A_22 = vector.load %arg5[%get3A_20, %get3A_21] : memref<64x1xf32, #tpu.memory_space<vmem>>, vector<64x1xf32>
    %add3A_23 = vector.broadcast %get3A_22 : vector<64x1xf32> to vector<64x8192xf32>
    %add3A_24 = arith.addf %dot_general3A_19, %add3A_23 : vector<64x8192xf32>
    %swap3A = arith.constant 0 : index
    %swap3A_25 = arith.constant 0 : index
    %swap3A_26 = vector.load %arg6[%swap3A, %swap3A_25] : memref<64x8192xf32, #tpu.memory_space<vmem>>, vector<64x8192xf32>
    tpu.vector_store %arg6[%swap3A, %swap3A_25], %add3A_24 {strides = array<i32>} : memref<64x8192xf32, #tpu.memory_space<vmem>>, vector<64x8192xf32>,
    return
  }
  func.func @transform_0(%arg0: i32) -> (i32, i32) {
    %c0_i32 = arith.constant 0 : i32
    %c0_i32_0 = arith.constant 0 : i32
    return %c0_i32, %arg0 : i32, i32
  }
  func.func @transform_1(%arg0: i32) -> (i32, i32) {
    %c0_i32 = arith.constant 0 : i32
    %c0_i32_0 = arith.constant 0 : i32
    %c0_i32_1 = arith.constant 0 : i32
    return %c0_i32, %c0_i32_0 : i32, i32
  }
  func.func @transform_2(%arg0: i32) -> (i32, i32) {
    %c0_i32 = arith.constant 0 : i32
    %c0_i32_0 = arith.constant 0 : i32
    %c0_i32_1 = arith.constant 0 : i32
    return %c0_i32, %c0_i32_0 : i32, i32
  }
  func.func @transform_3(%arg0: i32) -> (i32, i32) {
    %c0_i32 = arith.constant 0 : i32
    %c0_i32_0 = arith.constant 0 : i32
    %c0_i32_1 = arith.constant 0 : i32
    return %c0_i32, %c0_i32_0 : i32, i32
  }
  func.func @transform_4(%arg0: i32) -> (i32, i32) {
    %c0_i32 = arith.constant 0 : i32
    %c0_i32_0 = arith.constant 0 : i32
    %c0_i32_1 = arith.constant 0 : i32
    return %c0_i32, %c0_i32_0 : i32, i32
  }
  func.func @transform_5(%arg0: i32) -> (i32, i32) {
    %c0_i32 = arith.constant 0 : i32
    %c0_i32_0 = arith.constant 0 : i32
    return %c0_i32, %arg0 : i32, i32
  }
}

</mosaic_0001>

<sc_bundles>
// kernel: kernel.4.cloned.1.call-start
scs
__scs_entry_jumppad:
0x0: {  	(pc) =	sbr.rel $0x88, $3  }
0x1: {  	(tag) =	ssettag $0x0;
	lr =	simm.s32 $0x1  }
0x2: {  	[smem:$0x3F9B] =	sst lr;
	_ =	strace $0xD0000000  }
0x3: {  	_ = 	snop  }
0x4: {  	_ = 	snop  }
0x5: {  	_ = 	snop  }
0x6: {  	_ = 	snop  }
0x7: {  	_ = 	snop  }
__scs_overlays_trampoline_lowered:
0x8: {  	[smem:$0x3FAA] =	sst s0  }
0x9: {  	[smem:$0x3FAB] =	sst s1  }
0xa: {  	[smem:$0x3FAC] =	sst s2  }
0xb: {  	[smem:$0x3FAD] =	sst s3  }
0xc: {  	[smem:$0x3FAE] =	sst s4  }
0xd: {  	[smem:$0x3FAF] =	sst s5  }
0xe: {  	[smem:$0x3FB0] =	sst s6  }
0xf: {  	[smem:$0x3FB1] =	sst s7  }
0x10: {  	[smem:$0x3FB2] =	sst s8  }
0x11: {  	[smem:$0x3FB3] =	sst s9;
	s0 =	simm.s32 @!p0 $0x0  }
0x12: {  	s1 =	sld [smem:$0x3F99];
	s0 =	simm.s32 @p0 $0x1  }
0x13: {  	[smem:$0x3FB4] =	sst s0;
	s0 =	simm.s32 @!p1 $0x0  }
0x14: {  	s2 =	sld [smem:$0x3F98];
	s0 =	simm.s32 @p1 $0x1  }
0x15: {  	[smem:$0x3FB5] =	sst s0;
	s0 =	simm.s32 @!p2 $0x0  }
0x16: {  	s3 =	sld [smem:$0x3FDB];
	s0 =	simm.s32 @p2 $0x1  }
0x17: {  	s4 =	simm.s32 $0x1BF5;
	[smem:$0x3FB7] =	sst s0  }
0x18: {  	s0 =	sld [smem:$0x3F9A];
	_ =	swait.ge [sflag:s4], $0x0  }
0x19: {  	s7 =	sld [smem:$0x3F9B]  }
0x1a: {  	s8 =	sadd.s32 $0xFFFFE003, lr  }
0x1b: {  	s9 =	sadd.s32 $0xFFFFFEF7, lr;
	s5 =	simm.s32 $0xFFFFFFFF;
	p2 =	slt.u32 s8, $0xFFFFF086  }
0x1c: {  	p1 =	slt.u32 s9, $0xF7A;
	s5 =	simm.s32 @!p2 $0x0  }
0x1d: {  	s5 =	simm.s32 @p1 $0x1;
	p0 =	seq.s32 s7, s2  }
0x1e: {  	s7 =	smul.u32 @!p0 $0xF7A, s2;
	p2 =	seq.s32 @!p0 s5, $0x0  }
0x1f: {  	s9 =	smul.u32 $0xF7A, s1;
	s8 =	simm.s32 @!p0 $0x1BF5;
	p2 =	por !p2, p0  }
0x20: {  	[sflag:s8] =	ssyncset.s32 @!p0 $0xFFFFF086;
	s6 =	sadd.s32 @!p0 s3, s7;
	s7 =	simm.s32 @!p0 $0x108  }
0x21: {  	s3 =	sadd.s32 s3, s9;
	s6 =	sadd.s32 @!p0 $0x88, s6;
	s7 =	simm.s32 @p2 $0x1082  }
0x22: {  	[simem:s7], [sflag:s8] =	dma.local @!p0 [hbm:s6], $0xF7A  }
0x23: {  	s9 =	sor.u32 $0xD0000000, s2;
	s6 =	simm.s32 $0x108;
	_ =	swait.ge @!p0 [sflag:s8], $0x0  }
0x24: {  	s3 =	sadd.s32 $0x88, s3;
	s6 =	simm.s32 @!p1 $0x1082;
	[sflag:s4] =	ssyncset.s32 $0xFFFFF086  }
0x25: {  	[simem:s6], [sflag:s4] =	dma.local [hbm:s3], $0xF7A  }
0x26: {  	[smem:$0x3F9B] =	sst s1;
	(tag) =	ssettag s2;
	_ =	strace s9  }
0x27: {  	s1 =	sld [smem:$0x3FAB]  }
0x28: {  	s2 =	sld [smem:$0x3FAC]  }
0x29: {  	s4 =	sld [smem:$0x3FAE]  }
0x2a: {  	p0 =	seq.s32 s5, $0x0;
	s5 =	sld [smem:$0x3FAF]  }
0x2b: {  	s6 =	sld [smem:$0x3FB0]  }
0x2c: {  	s7 =	sld [smem:$0x3FB1]  }
0x2d: {  	s3 =	simm.s32 $0x108;
	s8 =	sld [smem:$0x3FB2]  }
0x2e: {  	s3 =	simm.s32 @!p0 $0x1082;
	s9 =	sld [smem:$0x3FB3]  }
0x2f: {  	lr =	sadd.s32 s0, s3;
	s0 =	sld [smem:$0x3FAA]  }
0x30: {  	s3 =	sld [smem:$0x3FAD]  }
0x31: {  	[smem:$0x3FB6] =	sst s10  }
0x32: {  	s10 =	sld [smem:$0x3FB4];
	_ =	sdelay $0x3  }
0x33: {  	p0 =	seq.s32 s10, $0x1;
	s10 =	sld [smem:$0x3FB6];
	_ =	sdelay $0x3  }
0x34: {  	[smem:$0x3FB6] =	sst s10  }
0x35: {  	s10 =	sld [smem:$0x3FB5];
	_ =	sdelay $0x3  }
0x36: {  	p1 =	seq.s32 s10, $0x1;
	s10 =	sld [smem:$0x3FB6];
	_ =	sdelay $0x3  }
0x37: {  	[smem:$0x3FB6] =	sst s10  }
0x38: {  	s10 =	sld [smem:$0x3FB7]  }
0x39: {  	_ = 	snop;
	(pc) =	sbr.ind lr, $3  }
0x3a: {  	_ = 	snop  }
0x3b: {  	_ = 	snop  }
0x3c: {  	p2 =	seq.s32 s10, $0x1;
	s10 =	sld [smem:$0x3FB6]  }
0x3d: {  	_ =	shalt  }
0x3e: {  	_ =	shalt  }
0x3f: {  	_ =	shalt  }
0x40: {  	_ =	shalt  }
0x41: {  	_ =	shalt  }
0x42: {  	_ =	shalt  }
0x43: {  	_ =	shalt  }
0x44: {  	_ =	shalt  }
0x45: {  	_ =	shalt  }
0x46: {  	_ =	shalt  }
0x47: {  	_ =	shalt  }
0x48: {  	_ =	shalt  }
0x49: {  	_ =	shalt  }
0x4a: {  	_ =	shalt  }
0x4b: {  	_ =	shalt  }
0x4c: {  	_ =	shalt  }
0x4d: {  	_ =	shalt  }
0x4e: {  	_ =	shalt  }
0x4f: {  	_ =	shalt  }
0x50: {  	_ =	shalt  }
0x51: {  	_ =	shalt  }
0x52: {  	_ =	shalt  }
0x53: {  	_ =	shalt  }
0x54: {  	_ =	shalt  }
0x55: {  	_ =	shalt  }
0x56: {  	_ =	shalt  }
0x57: {  	_ =	shalt  }
0x58: {  	_ =	shalt  }
0x59: {  	_ =	shalt  }
0x5a: {  	_ =	shalt  }
0x5b: {  	_ =	shalt  }
0x5c: {  	_ =	shalt  }
0x5d: {  	_ =	shalt  }
0x5e: {  	_ =	shalt  }
0x5f: {  	_ =	shalt  }
0x60: {  	_ =	shalt  }
0x61: {  	_ =	shalt  }
0x62: {  	_ =	shalt  }
0x63: {  	_ =	shalt  }
0x64: {  	_ =	shalt  }
0x65: {  	_ =	shalt  }
0x66: {  	_ =	shalt  }
0x67: {  	_ =	shalt  }
0x68: {  	_ =	shalt  }
0x69: {  	_ =	shalt  }
0x6a: {  	_ =	shalt  }
0x6b: {  	_ =	shalt  }
0x6c: {  	_ =	shalt  }
0x6d: {  	_ =	shalt  }
0x6e: {  	_ =	shalt  }
0x6f: {  	_ =	shalt  }
0x70: {  	_ =	shalt  }
0x71: {  	_ =	shalt  }
0x72: {  	_ =	shalt  }
0x73: {  	_ =	shalt  }
0x74: {  	_ =	shalt  }
0x75: {  	_ =	shalt  }
0x76: {  	_ =	shalt  }
0x77: {  	_ =	shalt  }
0x78: {  	_ =	shalt  }
0x79: {  	_ =	shalt  }
0x7a: {  	_ =	shalt  }
0x7b: {  	_ =	shalt  }
0x7c: {  	_ =	shalt  }
0x7d: {  	_ =	shalt  }
0x7e: {  	_ =	shalt  }
0x7f: {  	_ =	shalt  }
0x80: {  	_ =	shalt  }
0x81: {  	_ =	shalt  }
0x82: {  	_ =	shalt  }
0x83: {  	_ =	shalt  }
0x84: {  	_ =	shalt  }
0x85: {  	_ =	shalt  }
0x86: {  	_ =	shalt  }
0x87: {  	_ =	shalt  }
.Lfunc_end0:
.L_simem_size_0:
called_computation_lowered:
.L_overlay_start_0:
0x88: {  	s2 =	sld [smem:$0x3FD9]  }
0x89: {  	s3 =	sld [smem:$0x3FFE];
	_ =	sdelay $0x1  }
0x8a: {  	s1 =	srdreg.scid  }
0x8b: {  	s0 =	sand.u32 $0x1, s1  }
0x8c: {  	s17 =	sshll.u32 s0, $0xA;
	s2 =	sadd.s32 s3, s2  }
0x8d: {  	s2 =	sadd.s32 s2, s17  }
0x8e: {  	[smem:$0x3FC2] =	sst s2  }
0x8f: {  	_ = 	snop  }
0x90: {  	s2 =	sld [smem:$0x3FC9]  }
0x91: {  	s18 =	sld [smem:$0x3FD0];
	(tm) =	ssettm $0x1  }
0x92: {  	s4 =	sld [smem:$0x3FFB];
	_ =	sdelay $0x3  }
0x93: {  	_ =	strace s4  }
0x94: {  	s4 =	sld [smem:$0x3FFC];
	_ =	sdelay $0x3  }
0x95: {  	_ =	strace s4  }
0x96: {  	s4 =	sld [smem:$0x3FFD];
	_ =	sdelay $0x3  }
0x97: {  	_ =	strace s4  }
0x98: {  	_ =	strace $0x8FFFFFFF  }
0x99: {  	s19 =	sld [smem:$0x3FDB];
	_ =	sdelay $0x1  }
0x9a: {  	s5 =	simm.s32 $_scs_section_size  }
0x9b: {  	s6 =	simm.s32 $_size__tile_overlayer_lowered;
	s7 =	simm.s32 $_tile_overlayer_lowered  }
0x9c: {  	s22 =	simm.s32 $0x1BFF;
	s21 =	sshll.u32 s7, $0x1;
	s4 =	sadd.s32 s5, s19  }
0x9d: {  	s8 =	simm.s32 $0x0;
	s20 =	sshll.u32 s6, $0x1;
	s6 =	sadd.s32 s21, s4  }
0x9e: {  	[timem:s8], [sflag:s22] =	dma.local [hbm:s6], s20  }
0x9f: {  	_ =	swait.ge [sflag:s22], s20  }
0xa0: {  	s5 =	ssub.s32 $0x0, s20;
	[sflag:s22] =	ssyncset.done $0x0  }
0xa1: {  	[sflag:s22] =	ssyncadd.s32 s5;
	_ =	sdelay $0x1  }
0xa2: {  	s23 =	simm.s32 $0x1B8B  }
0xa3: {  	_ =	swait.ge [sflag:s23], $0x1  }
0xa4: {  	[sflag:s23] =	ssyncset.done $0x0  }
0xa5: {  	s25 =	simm.s32 $0x1B8E;
	s24 =	sld [smem:$0x3FFE];
	[sflag:s23] =	ssyncadd.s32 $0xFFFFFFFF  }
0xa6: {  	s26 =	simm.s32 $execute0_lowered;
	[smem:$0x3FD2] =	sst s25  }
0xa7: {  	s6 =	sshll.u32 s26, $0x1;
	_ =	strace $0x80000046;
	[dreg:$0x1] =	wrdreg $0xFFFFFFFF  }
0xa8: {  	s28 =	simm.s32 $_size_execute0_lowered;
	s4 =	sadd.s32 s4, s6;
	[dreg:$0x0] =	wrdreg $0x0  }
0xa9: {  	s6 =	sshll.u32 s28, $0x1;
	[dreg:$0x2] =	wrdreg s4  }
0xaa: {  	[dreg:$0x3] =	wrdreg s6  }
0xab: {  	[dreg:$0x4] =	wrdreg $0xC0  }
0xac: {  	_ =	task [dreg:s8], $0x5FFFF  }
0xad: {  	[dreg:$0x1] =	wrdreg $0xFFFFFFFF  }
0xae: {  	[dreg:$0x0] =	wrdreg $0x60  }
0xaf: {  	[dreg:$0x2] =	wrdreg s18  }
0xb0: {  	[dreg:$0x3] =	wrdreg s2  }
0xb1: {  	[dreg:$0x4] =	wrdreg s24  }
0xb2: {  	[dreg:$0x5] =	wrdreg $0x9  }
0xb3: {  	_ =	task.clear_ibuf [dreg:s8], $0x6FFFF;
	_ =	strace $0x90000046  }
0xb4: {  	s29 =	simm.s32 $0x9;
	_ =	strace $0x80000048  }
0xb5: {  	_ =	swait.ge [sflag:s29], $0x1  }
0xb6: {  	[sflag:s29] =	ssyncadd.s32 $0xFFFFFFFF  }
0xb7: {  	_ =	strace $0x90000048  }
0xb8: {  	_ =	sfence  }
0xb9: {  	s30 =	sld [smem:$0x0];
	_ =	sdelay $0x2  }
0xba: {  	s31 =	sshll.u32 s1, $0xD;
	s1 =	sshrl.u32 s1, $0x2  }
0xbb: {  	s3 =	sand.u32 $0x4000, s31;
	s1 =	sadd.s32 s1, s30  }
0xbc: {  	s0 =	sor.u32 s3, s0;
	s1 =	sshll.u32 s1, $0x11  }
0xbd: {  	s0 =	sor.u32 s1, s0  }
0xbe: {  	s0 =	sadd.s32 $0x8F2B, s0  }
0xbf: {  	[sflag:s0] =	ssyncadd.remote.s32 $0x1  }
0xc0: {  	_ =	sfence.sel $0xFFFF  }
0xc1: {  	[dreg:$0x0] =	wrdreg $0xFFFFFFFF;
	(pc) =	sbr.abs _section_cstart, $3  }
0xc2: {  	[dreg:$0x1] =	wrdreg $0xFFFFFFFF  }
0xc3: {  	_ =	task.clear_ibuf [dreg:s8], $0x2FFFF;
	_ =	strace $0x9FFFFFFF  }
0xc4: {  	(tm) =	ssettm $0x7FFFFFFF  }
0xc5: {  	_ =	shalt  }
tec
execute0_lowered:
.L_overlay_start_1:
0x0: {  	(tag) =	ssettag $0x1  }
0x1: {  	s1 =	rddreg [dreg:$0x0]  }
0x2: {  	s4 =	rddreg [dreg:$0x1]  }
0x3: {  	s5 =	rddreg [dreg:$0x2]  }
0x4: {  	s0 =	rddreg [dreg:$0x3]  }
0x5: {  	s6 =	srdreg.scid;
	s2 =	stileid.u32  }
0x6: {  	s3 =	simm.s32 $0x0;
	s10 =	simm.s32 $0x1200;
	s11 =	simm.s32 $0x1  }
0x7: {  	s12 =	simm.s32 $0x0;
	s6 =	sand.u32 $0x1, s6;
	s7 =	sshll.u32 s2, $0x1  }
0x8: {  	[smem:$0x7FF] =	sst s3;
	s7 =	sor.u32 s6, s7;
	s6 =	ssub.s32 $0x2, s6  }
0x9: {  	_ =	strace $0x80000047;
	s8 =	sshll.u32 s7, $0x9;
	s9 =	sshrl.u32 s6, $0x1  }
0xa: {  	s7 =	sshll.u32 s7, $0x6;
	s5 =	sadd.s32 s8, s5;
	s6 =	ssub.s32 s6, s9  }
0xb: {  	s4 =	sadd.s32 s4, s7;
	s7 =	simm.s32 $0x2;
	s8 =	simm.s32 $0x1000  }
0xc: {  	s9 =	simm.s32 $0x200;
	s5 =	sadd.s32 $0xE00, s5;
	s6 =	smax.u32 s6, $0x1  }
.LBB2_1:
0xd: {  	[tilespmem:s3], [sflag:$0x2] =	stream.linear.gather [hbm4b:s4+s3], $0x200, $0x38;
	[tilespmem:$0x2200] =	vst v63  }
0xe: {  	_ =	swait.ge [sflag:s7], $0x200  }
0xf: {  	[sflag:s7] =	ssyncset.done $0x0  }
0x10: {  	[sflag:s7] =	ssyncadd.s32 $0xFFFFFE00  }
0x11: {  	v0 =	vld [tilespmem:s3+$0x0];
	_ =	sdelay $0x4  }
0x12: {  	v1 =	vshll.u32 v0, $0x3  }
0x13: {  	s13 =	sand.u32 $0xC00, s3;
	s14 =	sand.u32 $0x70, s3;
	v0 =	vand.u32 $0x7F, v0;
	v1 =	vand.u32 $0xFFFFFC00, v1  }
0x14: {  	s14 =	sor.u32 s14, s13;
	v0 =	vor.u32 v0, v1  }
0x15: {  	[tilespmem:s14+$0x200] =	vst v0;
	v1 =	vor.u32 $0x80, v0  }
0x16: {  	v2 =	vor.u32 $0x100, v0;
	[tilespmem:s14+$0x280] =	vst v1  }
0x17: {  	v1 =	vor.u32 $0x180, v0;
	[tilespmem:s14+$0x300] =	vst v2  }
0x18: {  	v2 =	vor.u32 $0x200, v0;
	[tilespmem:s14+$0x380] =	vst v1  }
0x19: {  	v1 =	vor.u32 $0x280, v0;
	[tilespmem:s14+$0x400] =	vst v2  }
0x1a: {  	v2 =	vor.u32 $0x300, v0;
	[tilespmem:s14+$0x480] =	vst v1  }
0x1b: {  	v0 =	vor.u32 $0x380, v0;
	[tilespmem:s14+$0x500] =	vst v2  }
0x1c: {  	s13 =	simm.s32 $0x10;
	[tilespmem:s14+$0x580] =	vst v0  }
0x1d: {  	s15 =	simm.s32 $0x20;
	s16 =	simm.s32 $0x10;
	s14 =	simm.s32 $0x0;
	v0 =	vld [tilespmem:s13+$0x0]  }
.LBB2_2:
0x1e: {  	p0 =	sne.s32 s15, $0x1F0;
	_ =	sdelay $0x3  }
0x1f: {  	s14 =	sadd.s32 $0x80, s14;
	v1 =	vshll.u32 v0, $0x3  }
0x20: {  	s18 =	sand.u32 $0x70, s13;
	s13 =	smov.u32 s15;
	s17 =	sand.u32 $0xC00, s14;
	v0 =	vand.u32 $0x7F, v0;
	v1 =	vand.u32 $0xFFFFFC00, v1  }
0x21: {  	s17 =	sor.u32 s18, s17;
	v0 =	vor.u32 v0, v1  }
0x22: {  	[tilespmem:s17+$0x200] =	vst v0;
	v1 =	vor.u32 $0x80, v0;
	v2 =	vor.u32 $0x100, v0;
	v3 =	vor.u32 $0x180, v0  }
0x23: {  	v4 =	vor.u32 $0x280, v0;
	v5 =	vor.u32 $0x300, v0;
	[tilespmem:s17+$0x280] =	vst v1;
	v1 =	vor.u32 $0x200, v0  }
0x24: {  	v0 =	vor.u32 $0x380, v0;
	[tilespmem:s17+$0x300] =	vst v2  }
0x25: {  	[tilespmem:s17+$0x380] =	vst v3  }
.Ltmp0:
0x26: {  	[tilespmem:s17+$0x400] =	vst v1;
	(pc) =	sbr.rel @p0 .LBB2_2-.Ltmp0, $4  }
0x27: {  	[tilespmem:s17+$0x480] =	vst v4  }
0x28: {  	[tilespmem:s17+$0x500] =	vst v5  }
0x29: {  	s16 =	sadd.s32 $0x10, s16;
	[tilespmem:s17+$0x580] =	vst v0  }
0x2a: {  	s15 =	sadd.s32 $0x10, s15;
	v0 =	vld [tilespmem:s16+$0x0]  }
0x2b: {  	_ =	sdelay $0x3  }
0x2c: {  	s14 =	sadd.s32 $0x80, s14;
	v1 =	vshll.u32 v0, $0x3  }
0x2d: {  	s13 =	sand.u32 $0x70, s13;
	s14 =	sand.u32 $0xC00, s14;
	v59 =	vand.u32 $0x7F, v0;
	v1 =	vand.u32 $0xFFFFFC00, v1  }
0x2e: {  	s13 =	sor.u32 s13, s14;
	v0 =	vor.u32 v59, v1  }
0x2f: {  	[tilespmem:s13+$0x200] =	vst v0;
	v1 =	vor.u32 $0x80, v0  }
0x30: {  	v2 =	vor.u32 $0x100, v0;
	[tilespmem:s13+$0x280] =	vst v1  }
0x31: {  	v60 =	vor.u32 $0x180, v0;
	[tilespmem:s13+$0x300] =	vst v2  }
0x32: {  	v61 =	vor.u32 $0x200, v0;
	[tilespmem:s13+$0x380] =	vst v60  }
0x33: {  	v62 =	vor.u32 $0x280, v0;
	[tilespmem:s13+$0x400] =	vst v61  }
0x34: {  	v63 =	vor.u32 $0x300, v0;
	[tilespmem:s13+$0x480] =	vst v62  }
0x35: {  	v0 =	vor.u32 $0x380, v0;
	[tilespmem:s13+$0x500] =	vst v63  }
0x36: {  	[tilespmem:s13+$0x580] =	vst v0  }
0x37: {  	[tilespmem:s10], [sflag:$0x1] =	stream.indirect.gather [hbm4b:s1+s8], $0x1, s9, s8, $0xb8;
	[tilespmem:$0x2200] =	vst v63  }
0x38: {  	s12 =	sadd.s32 $0x1, s12;
	_ =	swait.ge [sflag:s11], $0x1000  }
0x39: {  	p0 =	sne.s32 s12, s6;
	[sflag:s11] =	ssyncset.done $0x0  }
.Ltmp1:
0x3a: {  	[sflag:s11] =	ssyncadd.s32 $0xFFFFF000;
	(pc) =	sbr.rel @p0 .LBB2_1-.Ltmp1, $4  }
0x3b: {  	[hbm4b:s5+s3] =	stream.linear.scatter [tilespmem:s10], [sflag:$0x2], $0x1000, $0x38;
	[tilespmem:$0x2200] =	vst v63  }
0x3c: {  	_ =	swait.ge [sflag:s7], $0x1000  }
0x3d: {  	[sflag:s7] =	ssyncset.done $0x0  }
0x3e: {  	[sflag:s7] =	ssyncadd.s32 $0xFFFFF000  }
0x3f: {  	_ =	sfence.sel $0x180000  }
0x40: {  	[bflag:$0x0] =	sbarrier.arrive $0xFFFF  }
0x41: {  	p0 =	sne.s32 s2, $0x0;
	_ =	strace $0x90000047  }
0x42: {  	s0 =	sadd.s32 @!p0 $0x100000, s0;
	[bflag:$0x2] =	sbarrier.arrive $0xFFFF  }
0x43: {  	[sflag:s0] =	ssyncadd.tile.s32 @!p0 $0x1;
	_ =	shalt  }
.Lfunc_end2:
_tile_overlayer_lowered:
.L_overlay_start_2:
0x44: {  	(tag) =	ssettag $0x2  }
0x45: {  	s0 =	rddreg [dreg:$0x0];
	s2 =	stileid.u32  }
0x46: {  	s1 =	rddreg [dreg:$0x1];
	p0 =	sne.s32 s2, $0x0  }
0x47: {  	s3 =	rddreg [dreg:$0x2];
	[bflag:$0x3] =	sbarrier.arrive $0xFFFF;
	s2 =	simm.s32 @!p0 $0x1C02  }
0x48: {  	[timem:s3], [sflag:s2] =	dma.local @!p0 [hbm:s0], s1  }
0x49: {  	s0 =	simm.s32 @!p0 $0x2  }
0x4a: {  	_ =	swait.ge @!p0 [sflag:s0], s1  }
0x4b: {  	s1 =	ssub.s32 @!p0 $0x0, s1;
	[sflag:s0] =	ssyncset.done @!p0 $0x0  }
0x4c: {  	[sflag:s0] =	ssyncadd.s32 @!p0 s1  }
0x4d: {  	[bflag:$0x3] =	sbarrier.arrive $0xFFFF  }
0x4e: {  	_ =	shalt  }

</sc_bundles>
